<compile_context>
chip_gen: v7x
topology: tpu7x:2x2x1
jax: 0.10.2.dev20260603
libtpu: 0.0.44.dev20260713+nightly
codegen_flags: <defaults>
</compile_context>

<pallas_src>
import functools

import jax
import jax.numpy as jnp
from jax import lax
from jax.experimental import pallas as pl
from jax.experimental.pallas import tpu as pltpu
from jax.experimental.pallas import tpu_sc as plsc

TOPK = 512
PROMPT_WIN = 256
LANES = 16


def _select_kernel(pb_ref, x_ref, sel_ref):
    pb = pb_ref[0, 0]
    xs = x_ref[0]
    D = xs.shape[1]
    rows = lax.broadcasted_iota(jnp.int32, (PROMPT_WIN, 1), 0)
    rmask = (rows <= pb).astype(jnp.float32)
    s = jnp.sum(xs * rmask, axis=0, keepdims=True)
    a = jnp.abs(s) / (pb + 1).astype(jnp.float32)
    ab = lax.bitcast_convert_type(a, jnp.int32)

    def bs_body(_, carry):
        lo, hi = carry
        mid = lo + (hi - lo) // 2
        ge = jnp.sum((ab >= mid).astype(jnp.int32))
        take = ge >= TOPK
        return jnp.where(take, mid, lo), jnp.where(take, hi, mid)

    lo, _ = lax.fori_loop(
        0, 31, bs_body, (jnp.int32(0), jnp.int32(0x7F800001)))
    v = lo
    gt = ab > v
    c_gt = jnp.sum(gt.astype(jnp.int32))
    r = TOPK - c_gt
    eq = ab == v
    idx = lax.broadcasted_iota(jnp.int32, (1, D), 1)

    def bs2_body(_, carry):
        lo2, hi2 = carry
        mid = lo2 + (hi2 - lo2) // 2
        g = jnp.sum((eq & (idx <= mid)).astype(jnp.int32))
        ok = g >= r
        lo2n = jnp.where(ok, lo2, mid)
        hi2n = jnp.where(ok, mid, hi2)
        valid = (hi2 - lo2) > 1
        return (jnp.where(valid, lo2n, lo2), jnp.where(valid, hi2n, hi2))

    _, I = lax.fori_loop(0, 11, bs2_body, (jnp.int32(-1), jnp.int32(D - 1)))
    sel = (gt | (eq & (idx <= I))).astype(jnp.float32)
    sel_ref[...] = sel.reshape(D)


def _select_call(pb, x):
    _, S, D = x.shape
    return pl.pallas_call(
        _select_kernel,
        grid=(1,),
        in_specs=[
            pl.BlockSpec(memory_space=pltpu.SMEM),
            pl.BlockSpec((1, PROMPT_WIN, D), lambda i: (0, 0, 0)),
        ],
        out_specs=pl.BlockSpec((D,), lambda i: (0,)),
        out_shape=jax.ShapeDtypeStruct((D,), jnp.float32),
    )(pb, x)


def _make_scatter_mask(D):
    mesh = plsc.VectorSubcoreMesh(core_axis_name="c", subcore_axis_name="s")

    @functools.partial(
        pl.kernel,
        mesh=mesh,
        out_type=jax.ShapeDtypeStruct((D,), jnp.float32),
        scratch_types=[
            pltpu.VMEM((D,), jnp.int32),
            pltpu.VMEM((D,), jnp.float32),
            pltpu.VMEM((D,), jnp.float32),
        ],
        compiler_params=pltpu.CompilerParams(needs_layout_passes=False),
    )
    def scatter_mask(perm_hbm, sel_hbm, m_hbm, perm_v, sel_v, m_v):
        cid = lax.axis_index("c")
        sid = lax.axis_index("s")

        @pl.when(jnp.logical_and(cid == 0, sid == 0))
        def _():
            pltpu.sync_copy(perm_hbm, perm_v)
            pltpu.sync_copy(sel_hbm, sel_v)

            def zero(i, c):
                m_v[pl.ds(i * LANES, LANES)] = jnp.zeros((LANES,), jnp.float32)
                return c

            lax.fori_loop(0, D // LANES, zero, 0)

            def scat(i, c):
                idxs = perm_v[pl.ds(i * LANES, LANES)]
                vals = sel_v[pl.ds(i * LANES, LANES)]
                plsc.store_scatter(m_v, [idxs], vals)
                return c

            lax.fori_loop(0, D // LANES, scat, 0)
            pltpu.sync_copy(m_v, m_hbm)

    return scatter_mask


def _matmul_kernel(x_ref, m_ref, w_ref, out_ref, xm_ref):
    D = m_ref.shape[0]

    @pl.when(pl.program_id(0) == 0)
    def _():
        m_row = m_ref[...].reshape(1, D)
        xm_ref[...] = (x_ref[0] * m_row).astype(jnp.bfloat16)

    wb = w_ref[...].astype(jnp.bfloat16)
    out_ref[0] = lax.dot_general(
        xm_ref[...], wb, (((1,), (1,)), ((), ())),
        preferred_element_type=jnp.float32)


def _matmul_call(x, m, w, to=512):
    _, S, D = x.shape
    O = w.shape[0]
    return pl.pallas_call(
        _matmul_kernel,
        grid=(O // to,),
        in_specs=[
            pl.BlockSpec((1, S, D), lambda j: (0, 0, 0)),
            pl.BlockSpec((D,), lambda j: (0,)),
            pl.BlockSpec((to, D), lambda j: (j, 0)),
        ],
        out_specs=pl.BlockSpec((1, S, to), lambda j: (0, 0, j)),
        out_shape=jax.ShapeDtypeStruct((1, S, O), jnp.float32),
        scratch_shapes=[pltpu.VMEM((S, D), jnp.bfloat16)],
    )(x, m, w)


def kernel(x, new_weight, permutation, prompt_boundary):
    _, S, D = x.shape
    pb = jnp.asarray(prompt_boundary, jnp.int32).reshape(1, 1)
    sel = _select_call(pb, x)
    perm = permutation.astype(jnp.int32)
    m = _make_scatter_mask(D)(perm, sel)
    return _matmul_call(x, m, new_weight)

# --- scband reference (transcript-rebuilt; emitter-appended) ---
"""Pipeline reference for scband-memoir-4922032521692 (READ-ONLY COPY).

The authoritative reference and input builder live on the scoring server;
editing this copy changes nothing except your own understanding.
"""

import jax, jax.numpy as jnp
import numpy as np

TOP_K = 512

def setup_inputs(seed: int = 0) -> dict:
    key = jax.random.key(seed)
    k1, k2, k3 = jax.random.split(key, 3)
    B, S, D = 1, 2048, 2048
    x = jax.random.normal(k1, (B, S, D), dtype=jnp.float32)
    new_weight = jax.random.normal(k2, (D, D), dtype=jnp.float32) * 0.02
    permutation = jax.random.permutation(k3, jnp.arange(D, dtype=jnp.int64))
    prompt_boundary = 128
    return {"x": x, "new_weight": new_weight, "permutation": permutation, "prompt_boundary": prompt_boundary}

def reference(x, new_weight, permutation, prompt_boundary):
    # MEMOIRAdapter.new_weight_forward, inference path (padding_counts = 0),
    # prompt_feature_agg = 'mean'.
    B, S, D = x.shape
    # aggregate_prompt_features: mean over prompt tokens [0, prompt_boundary]
    positions = jnp.arange(S)
    prompt_mask = (positions <= prompt_boundary).astype(x.dtype)  # (S,)
    prompt_count = jnp.sum(prompt_mask)
    prompt_agg = jnp.sum(x * prompt_mask[None, :, None], axis=1) / prompt_count  # (B, D)
    # TopHasher.get_active_indices on the (single) inference sample:
    # top-k by absolute value, then apply the fixed random permutation
    _, idx = jax.lax.top_k(jnp.abs(prompt_agg[0]), TOP_K)
    active = jnp.take(permutation, idx)  # (top_k,)
    # Sparsify features: zero out all but the active feature indices
    mask = jnp.zeros((D,), dtype=x.dtype).at[active].set(1.0)
    x_sparse = x * mask[None, None, :]
    # F.linear(x_sparse, new_weight): (B, S, D) @ (D_out, D)^T
    out = jnp.einsum('bsd,od->bso', x_sparse, new_weight)
    return out

if __name__ == "__main__":
    import jax
    _d = setup_inputs()
    print(jax.jit(kernel)(*tuple(_d.values())))

</pallas_src>

<mosaic_0001>
#map = affine_map<(d0, d1) -> (0)>
module attributes {stable_mosaic.version = 14 : i64} {
  func.func @scatter_mask(%arg0: i32, %arg1: i32, %arg2: memref<2048xi32, #tpu.memory_space<hbm>>, %arg3: memref<2048xf32, #tpu.memory_space<hbm>>, %arg4: memref<2048xf32, #tpu.memory_space<hbm>>, %arg5: memref<2048xi32, #tpu.memory_space<vmem>>, %arg6: memref<2048xf32, #tpu.memory_space<vmem>>, %arg7: memref<2048xf32, #tpu.memory_space<vmem>>) attributes {dimension_semantics = [#tpu.dimension_semantics<core_parallel>, #tpu.dimension_semantics<subcore_parallel>], iteration_bounds = array<i64: 2, 16>, scalar_prefetch = 0 : i64, scratch_operands = 3 : i64, tpu.core_type = #tpu.core_type<sc_vector_subcore>, window_params = [{transform_indices = #map}, {transform_indices = #map}, {transform_indices = #map}]} {
    %eq3A = arith.constant 0 : i32
    %eq3A_0 = arith.cmpi eq, %arg0, %eq3A : i32
    %eq3A_1 = arith.constant 0 : i32
    %eq3A_2 = arith.cmpi eq, %arg1, %eq3A_1 : i32
    %and3A = arith.andi %eq3A_0, %eq3A_2 : i1
    %convert_element_type3A = arith.extui %and3A : i1 to i32
    %cond3A = arith.constant 0 : i32
    %cond3A_3 = arith.cmpi ne, %convert_element_type3A, %cond3A : i32
    scf.if %cond3A_3 {
      "tpu.region"() ({
        %run_scoped3A = tpu.sem_alloc : memref<!tpu.dma_semaphore, #tpu.memory_space<semaphore_mem>>
        tpu.enqueue_dma source(%arg2 : memref<2048xi32, #tpu.memory_space<hbm>>) target(%arg5 : memref<2048xi32, #tpu.memory_space<vmem>>) target_semaphore(%run_scoped3A : memref<!tpu.dma_semaphore, #tpu.memory_space<semaphore_mem>>)
        tpu.wait_dma2 semaphore(%run_scoped3A : memref<!tpu.dma_semaphore, #tpu.memory_space<semaphore_mem>>) src(%arg2 : memref<2048xi32, #tpu.memory_space<hbm>>) dst(%arg5 : memref<2048xi32, #tpu.memory_space<vmem>>)
        tpu.yield
      }) : () -> ()
      "tpu.region"() ({
        %run_scoped3A = tpu.sem_alloc : memref<!tpu.dma_semaphore, #tpu.memory_space<semaphore_mem>>
        tpu.enqueue_dma source(%arg3 : memref<2048xf32, #tpu.memory_space<hbm>>) target(%arg6 : memref<2048xf32, #tpu.memory_space<vmem>>) target_semaphore(%run_scoped3A : memref<!tpu.dma_semaphore, #tpu.memory_space<semaphore_mem>>)
        tpu.wait_dma2 semaphore(%run_scoped3A : memref<!tpu.dma_semaphore, #tpu.memory_space<semaphore_mem>>) src(%arg3 : memref<2048xf32, #tpu.memory_space<hbm>>) dst(%arg6 : memref<2048xf32, #tpu.memory_space<vmem>>)
        tpu.yield
      }) : () -> ()
      %scan3A = arith.constant 0 : i32
      %scan3A_4 = arith.constant 0 : i32
      %scan3A_5 = arith.constant 128 : i32
      %scan3A_6 = arith.addi %scan3A_4, %scan3A_5 : i32
      %scan3A_7 = arith.constant 1 : i32
      scf.for %scan3A_15 = %scan3A_4 to %scan3A_6 step %scan3A_7  : i32 {
        %broadcast_in_dim3A = arith.constant 0.000000e+00 : f32
        %broadcast_in_dim3A_16 = vector.broadcast %broadcast_in_dim3A : f32 to vector<16xf32>
        %mul3A = arith.constant 16 : i32
        %mul3A_17 = arith.muli %scan3A_15, %mul3A : i32
        %swap3A = arith.index_cast %mul3A_17 : i32 to index
        %swap3A_18 = tpu.vector_load %arg7[%swap3A] {strides = array<i32>} : memref<2048xf32, #tpu.memory_space<vmem>>, vector<16xf32>,
        tpu.vector_store %arg7[%swap3A], %broadcast_in_dim3A_16 {strides = array<i32>} : memref<2048xf32, #tpu.memory_space<vmem>>, vector<16xf32>,
      }
      %scan3A_8 = arith.constant 128 : i32
      %scan3A_9 = arith.constant 0 : i32
      %scan3A_10 = arith.constant 0 : i32
      %scan3A_11 = arith.constant 128 : i32
      %scan3A_12 = arith.addi %scan3A_10, %scan3A_11 : i32
      %scan3A_13 = arith.constant 1 : i32
      scf.for %scan3A_15 = %scan3A_10 to %scan3A_12 step %scan3A_13  : i32 {
        %mul3A = arith.constant 16 : i32
        %mul3A_16 = arith.muli %scan3A_15, %mul3A : i32
        %get3A = arith.index_cast %mul3A_16 : i32 to index
        %get3A_17 = tpu.vector_load %arg5[%get3A] {strides = array<i32>} : memref<2048xi32, #tpu.memory_space<vmem>>, vector<16xi32>,
        %mul3A_18 = arith.constant 16 : i32
        %mul3A_19 = arith.muli %scan3A_15, %mul3A_18 : i32
        %get3A_20 = arith.index_cast %mul3A_19 : i32 to index
        %get3A_21 = tpu.vector_load %arg6[%get3A_20] {strides = array<i32>} : memref<2048xf32, #tpu.memory_space<vmem>>, vector<16xf32>,
        tpu.vector_store_idx %arg7[%get3A_17], %get3A_21 : memref<2048xf32, #tpu.memory_space<vmem>>[vector<16xi32>], vector<16xf32>,
      }
      %scan3A_14 = arith.constant 128 : i32
      "tpu.region"() ({
        %run_scoped3A = tpu.sem_alloc : memref<!tpu.dma_semaphore, #tpu.memory_space<semaphore_mem>>
        tpu.enqueue_dma source(%arg7 : memref<2048xf32, #tpu.memory_space<vmem>>) target(%arg4 : memref<2048xf32, #tpu.memory_space<hbm>>) target_semaphore(%run_scoped3A : memref<!tpu.dma_semaphore, #tpu.memory_space<semaphore_mem>>)
        tpu.wait_dma2 semaphore(%run_scoped3A : memref<!tpu.dma_semaphore, #tpu.memory_space<semaphore_mem>>) src(%arg7 : memref<2048xf32, #tpu.memory_space<vmem>>) dst(%arg4 : memref<2048xf32, #tpu.memory_space<hbm>>)
        tpu.yield
      }) : () -> ()
    } else {
    }
    return
  }
}

module attributes {stable_mosaic.version = 14 : i64} {
  func.func @_select_kernel(%arg0: i32, %arg1: memref<1x1xi32, #tpu.memory_space<smem>>, %arg2: memref<1x256x2048xf32, #tpu.memory_space<vmem>>, %arg3: memref<2048xf32, #tpu.memory_space<vmem>>) attributes {dimension_semantics = [#tpu.dimension_semantics<arbitrary>], iteration_bounds = array<i64: 1>, scalar_prefetch = 0 : i64, scratch_operands = 0 : i64, tpu.core_type = #tpu.core_type<tc>, window_params = [{transform_indices = @transform_0, window_bounds = array<i64: 1, 1>}, {transform_indices = @transform_1, window_bounds = array<i64: 1, 256, 2048>}, {pipeline_mode = #tpu.pipeline_mode<synchronous>, transform_indices = @transform_2, window_bounds = array<i64: 2048>}]} {
    %get3A = arith.constant 0 : index
    %get3A_0 = arith.constant 0 : index
    %get3A_1 = memref.load %arg1[%get3A, %get3A_0] : memref<1x1xi32, #tpu.memory_space<smem>>
    %get3A_2 = arith.constant 0 : index
    %get3A_3 = arith.constant 0 : index
    %get3A_4 = arith.constant 0 : index
    %get3A_5 = vector.load %arg2[%get3A_2, %get3A_3, %get3A_4] : memref<1x256x2048xf32, #tpu.memory_space<vmem>>, vector<1x256x2048xf32>
    %get3A_6 = vector.shape_cast %get3A_5 : vector<1x256x2048xf32> to vector<256x2048xf32>
    %iota3A = tpu.iota {dimensions = array<i32: 0>} : vector<256x1xi32>
    %le3A = vector.broadcast %get3A_1 : i32 to vector<256x1xi32>
    %le3A_7 = arith.cmpi sle, %iota3A, %le3A : vector<256x1xi32>
    %convert_element_type3A = arith.extui %le3A_7 : vector<256x1xi1> to vector<256x1xi32>
    %convert_element_type3A_8 = arith.sitofp %convert_element_type3A : vector<256x1xi32> to vector<256x1xf32>
    %mul3A = vector.broadcast %convert_element_type3A_8 : vector<256x1xf32> to vector<256x2048xf32>
    %mul3A_9 = arith.mulf %get3A_6, %mul3A : vector<256x2048xf32>
    %reduce_sum3A = arith.constant dense<0.000000e+00> : vector<2048xf32>
    %reduce_sum3A_10 = vector.multi_reduction <add>, %mul3A_9, %reduce_sum3A [0] : vector<256x2048xf32> to vector<2048xf32>
    %broadcast_in_dim3A = vector.shape_cast %reduce_sum3A_10 : vector<2048xf32> to vector<1x2048xf32>
    %abs3A = math.absf %broadcast_in_dim3A : vector<1x2048xf32>
    %add3A = arith.constant 1 : i32
    %add3A_11 = arith.addi %get3A_1, %add3A : i32
    %convert_element_type3A_12 = arith.sitofp %add3A_11 : i32 to f32
    %div3A = vector.broadcast %convert_element_type3A_12 : f32 to vector<1x2048xf32>
    %div3A_13 = arith.divf %abs3A, %div3A : vector<1x2048xf32>
    %bitcast_convert_type3A = tpu.bitcast %div3A_13 : vector<1x2048xf32> -> vector<1x2048xi32>
    %scan3A = arith.constant 0 : i32
    %scan3A_14 = arith.constant 2139095041 : i32
    %scan3A_15 = arith.constant 0 : i32
    %scan3A_16 = arith.constant 31 : i32
    %scan3A_17 = arith.addi %scan3A_15, %scan3A_16 : i32
    %scan3A_18 = arith.constant 1 : i32
    %scan3A_19:2 = scf.for %scan3A_42 = %scan3A_15 to %scan3A_17 step %scan3A_18 iter_args(%scan3A_43 = %scan3A, %scan3A_44 = %scan3A_14) -> (i32, i32)  : i32 {
      %sub3A_45 = arith.subi %scan3A_44, %scan3A_43 : i32
      %jit3A = arith.constant 2 : i32
      %div3A_46 = arith.divsi %sub3A_45, %jit3A : i32
      %sign3A = arith.constant 0 : i32
      %sign3A_47 = arith.cmpi sgt, %sub3A_45, %sign3A : i32
      %sign3A_48 = arith.extui %sign3A_47 : i1 to i32
      %sign3A_49 = arith.constant 0 : i32
      %sign3A_50 = arith.cmpi slt, %sub3A_45, %sign3A_49 : i32
      %sign3A_51 = arith.extui %sign3A_50 : i1 to i32
      %sign3A_52 = arith.subi %sign3A_48, %sign3A_51 : i32
      %sign3A_53 = arith.constant 0 : i32
      %sign3A_54 = arith.cmpi sgt, %jit3A, %sign3A_53 : i32
      %sign3A_55 = arith.extui %sign3A_54 : i1 to i32
      %sign3A_56 = arith.constant 0 : i32
      %sign3A_57 = arith.cmpi slt, %jit3A, %sign3A_56 : i32
      %sign3A_58 = arith.extui %sign3A_57 : i1 to i32
      %sign3A_59 = arith.subi %sign3A_55, %sign3A_58 : i32
      %ne3A = arith.cmpi ne, %sign3A_52, %sign3A_59 : i32
      %rem3A = arith.remsi %sub3A_45, %jit3A : i32
      %ne3A_60 = arith.constant 0 : i32
      %ne3A_61 = arith.cmpi ne, %rem3A, %ne3A_60 : i32
      %and3A_62 = arith.andi %ne3A, %ne3A_61 : i1
      %sub3A_63 = arith.constant 1 : i32
      %sub3A_64 = arith.subi %div3A_46, %sub3A_63 : i32
      %select_n3A = arith.select %and3A_62, %sub3A_64, %div3A_46 : i32
      %add3A_65 = arith.addi %scan3A_43, %select_n3A : i32
      %ge3A = vector.broadcast %add3A_65 : i32 to vector<1x2048xi32>
      %ge3A_66 = arith.cmpi sge, %bitcast_convert_type3A, %ge3A : vector<1x2048xi32>
      %convert_element_type3A_67 = arith.extui %ge3A_66 : vector<1x2048xi1> to vector<1x2048xi32>
      %reduce_sum3A_68 = vector.shape_cast %convert_element_type3A_67 : vector<1x2048xi32> to vector<1x1x2048xi32>
      %reduce_sum3A_69 = arith.constant dense<0> : vector<1xi32>
      %reduce_sum3A_70 = vector.multi_reduction <add>, %reduce_sum3A_68, %reduce_sum3A_69 [1, 2] : vector<1x1x2048xi32> to vector<1xi32>
      %reduce_sum3A_71 = vector.shape_cast %reduce_sum3A_70 : vector<1xi32> to vector<1x1x1xi32>
      %reduce_sum3A_72 = vector.extract %reduce_sum3A_71[0, 0, 0] : i32 from vector<1x1x1xi32>
      %ge3A_73 = arith.constant 512 : i32
      %ge3A_74 = arith.cmpi sge, %reduce_sum3A_72, %ge3A_73 : i32
      %select_n3A_75 = arith.select %ge3A_74, %add3A_65, %scan3A_43 : i32
      %select_n3A_76 = arith.select %ge3A_74, %scan3A_44, %add3A_65 : i32
      scf.yield %select_n3A_75, %select_n3A_76 : i32, i32
    }
    %gt3A = vector.broadcast %scan3A_19#0 : i32 to vector<1x2048xi32>
    %gt3A_20 = arith.cmpi sgt, %bitcast_convert_type3A, %gt3A : vector<1x2048xi32>
    %convert_element_type3A_21 = arith.extui %gt3A_20 : vector<1x2048xi1> to vector<1x2048xi32>
    %reduce_sum3A_22 = vector.shape_cast %convert_element_type3A_21 : vector<1x2048xi32> to vector<1x1x2048xi32>
    %reduce_sum3A_23 = arith.constant dense<0> : vector<1xi32>
    %reduce_sum3A_24 = vector.multi_reduction <add>, %reduce_sum3A_22, %reduce_sum3A_23 [1, 2] : vector<1x1x2048xi32> to vector<1xi32>
    %reduce_sum3A_25 = vector.shape_cast %reduce_sum3A_24 : vector<1xi32> to vector<1x1x1xi32>
    %reduce_sum3A_26 = vector.extract %reduce_sum3A_25[0, 0, 0] : i32 from vector<1x1x1xi32>
    %sub3A = arith.constant 512 : i32
    %sub3A_27 = arith.subi %sub3A, %reduce_sum3A_26 : i32
    %eq3A = vector.broadcast %scan3A_19#0 : i32 to vector<1x2048xi32>
    %eq3A_28 = arith.cmpi eq, %bitcast_convert_type3A, %eq3A : vector<1x2048xi32>
    %iota3A_29 = tpu.iota {dimensions = array<i32: 1>} : vector<1x2048xi32>
    %scan3A_30 = arith.constant -1 : i32
    %scan3A_31 = arith.constant 2047 : i32
    %scan3A_32 = arith.constant 0 : i32
    %scan3A_33 = arith.constant 11 : i32
    %scan3A_34 = arith.addi %scan3A_32, %scan3A_33 : i32
    %scan3A_35 = arith.constant 1 : i32
    %scan3A_36:2 = scf.for %scan3A_42 = %scan3A_32 to %scan3A_34 step %scan3A_35 iter_args(%scan3A_43 = %scan3A_30, %scan3A_44 = %scan3A_31) -> (i32, i32)  : i32 {
      %sub3A_45 = arith.subi %scan3A_44, %scan3A_43 : i32
      %jit3A = arith.constant 2 : i32
      %div3A_46 = arith.divsi %sub3A_45, %jit3A : i32
      %sign3A = arith.constant 0 : i32
      %sign3A_47 = arith.cmpi sgt, %sub3A_45, %sign3A : i32
      %sign3A_48 = arith.extui %sign3A_47 : i1 to i32
      %sign3A_49 = arith.constant 0 : i32
      %sign3A_50 = arith.cmpi slt, %sub3A_45, %sign3A_49 : i32
      %sign3A_51 = arith.extui %sign3A_50 : i1 to i32
      %sign3A_52 = arith.subi %sign3A_48, %sign3A_51 : i32
      %sign3A_53 = arith.constant 0 : i32
      %sign3A_54 = arith.cmpi sgt, %jit3A, %sign3A_53 : i32
      %sign3A_55 = arith.extui %sign3A_54 : i1 to i32
      %sign3A_56 = arith.constant 0 : i32
      %sign3A_57 = arith.cmpi slt, %jit3A, %sign3A_56 : i32
      %sign3A_58 = arith.extui %sign3A_57 : i1 to i32
      %sign3A_59 = arith.subi %sign3A_55, %sign3A_58 : i32
      %ne3A = arith.cmpi ne, %sign3A_52, %sign3A_59 : i32
      %rem3A = arith.remsi %sub3A_45, %jit3A : i32
      %ne3A_60 = arith.constant 0 : i32
      %ne3A_61 = arith.cmpi ne, %rem3A, %ne3A_60 : i32
      %and3A_62 = arith.andi %ne3A, %ne3A_61 : i1
      %sub3A_63 = arith.constant 1 : i32
      %sub3A_64 = arith.subi %div3A_46, %sub3A_63 : i32
      %select_n3A = arith.select %and3A_62, %sub3A_64, %div3A_46 : i32
      %add3A_65 = arith.addi %scan3A_43, %select_n3A : i32
      %le3A_66 = vector.broadcast %add3A_65 : i32 to vector<1x2048xi32>
      %le3A_67 = arith.cmpi sle, %iota3A_29, %le3A_66 : vector<1x2048xi32>
      %and3A_68 = arith.andi %eq3A_28, %le3A_67 : vector<1x2048xi1>
      %convert_element_type3A_69 = arith.extui %and3A_68 : vector<1x2048xi1> to vector<1x2048xi32>
      %reduce_sum3A_70 = vector.shape_cast %convert_element_type3A_69 : vector<1x2048xi32> to vector<1x1x2048xi32>
      %reduce_sum3A_71 = arith.constant dense<0> : vector<1xi32>
      %reduce_sum3A_72 = vector.multi_reduction <add>, %reduce_sum3A_70, %reduce_sum3A_71 [1, 2] : vector<1x1x2048xi32> to vector<1xi32>
      %reduce_sum3A_73 = vector.shape_cast %reduce_sum3A_72 : vector<1xi32> to vector<1x1x1xi32>
      %reduce_sum3A_74 = vector.extract %reduce_sum3A_73[0, 0, 0] : i32 from vector<1x1x1xi32>
      %ge3A = arith.cmpi sge, %reduce_sum3A_74, %sub3A_27 : i32
      %select_n3A_75 = arith.select %ge3A, %scan3A_43, %add3A_65 : i32
      %select_n3A_76 = arith.select %ge3A, %add3A_65, %scan3A_44 : i32
      %sub3A_77 = arith.subi %scan3A_44, %scan3A_43 : i32
      %gt3A_78 = arith.constant 1 : i32
      %gt3A_79 = arith.cmpi sgt, %sub3A_77, %gt3A_78 : i32
      %select_n3A_80 = arith.select %gt3A_79, %select_n3A_75, %scan3A_43 : i32
      %select_n3A_81 = arith.select %gt3A_79, %select_n3A_76, %scan3A_44 : i32
      scf.yield %select_n3A_80, %select_n3A_81 : i32, i32
    }
    %le3A_37 = vector.broadcast %scan3A_36#1 : i32 to vector<1x2048xi32>
    %le3A_38 = arith.cmpi sle, %iota3A_29, %le3A_37 : vector<1x2048xi32>
    %and3A = arith.andi %eq3A_28, %le3A_38 : vector<1x2048xi1>
    %or3A = arith.ori %gt3A_20, %and3A : vector<1x2048xi1>
    %convert_element_type3A_39 = arith.extui %or3A : vector<1x2048xi1> to vector<1x2048xi32>
    %convert_element_type3A_40 = arith.sitofp %convert_element_type3A_39 : vector<1x2048xi32> to vector<1x2048xf32>
    %reshape3A = vector.shape_cast %convert_element_type3A_40 : vector<1x2048xf32> to vector<2048xf32>
    %swap3A = arith.constant 0 : index
    %swap3A_41 = vector.load %arg3[%swap3A] : memref<2048xf32, #tpu.memory_space<vmem>>, vector<2048xf32>
    tpu.vector_store %arg3[%swap3A], %reshape3A {strides = array<i32>} : memref<2048xf32, #tpu.memory_space<vmem>>, vector<2048xf32>,
    return
  }
  func.func @transform_0(%arg0: i32) -> (i32, i32) {
    %c0_i32 = arith.constant 0 : i32
    %c0_i32_0 = arith.constant 0 : i32
    %c0_i32_1 = arith.constant 0 : i32
    return %c0_i32, %c0_i32_0 : i32, i32
  }
  func.func @transform_1(%arg0: i32) -> (i32, i32, i32) {
    %c0_i32 = arith.constant 0 : i32
    %c0_i32_0 = arith.constant 0 : i32
    %c0_i32_1 = arith.constant 0 : i32
    %c0_i32_2 = arith.constant 0 : i32
    return %c0_i32, %c0_i32_0, %c0_i32_1 : i32, i32, i32
  }
  func.func @transform_2(%arg0: i32) -> i32 {
    %c0_i32 = arith.constant 0 : i32
    %c0_i32_0 = arith.constant 0 : i32
    return %c0_i32 : i32
  }
}

module attributes {stable_mosaic.version = 14 : i64} {
  func.func @_matmul_kernel(%arg0: i32, %arg1: memref<1x2048x2048xf32, #tpu.memory_space<vmem>>, %arg2: memref<2048xf32, #tpu.memory_space<vmem>>, %arg3: memref<512x2048xf32, #tpu.memory_space<vmem>>, %arg4: memref<1x2048x512xf32, #tpu.memory_space<vmem>>, %arg5: memref<2048x2048xbf16, #tpu.memory_space<vmem>>) attributes {dimension_semantics = [#tpu.dimension_semantics<arbitrary>], iteration_bounds = array<i64: 4>, scalar_prefetch = 0 : i64, scratch_operands = 1 : i64, tpu.core_type = #tpu.core_type<tc>, window_params = [{pipeline_mode = #tpu.pipeline_mode<synchronous>, transform_indices = @transform_0, window_bounds = array<i64: 1, 2048, 2048>}, {pipeline_mode = #tpu.pipeline_mode<synchronous>, transform_indices = @transform_1, window_bounds = array<i64: 2048>}, {transform_indices = @transform_2, window_bounds = array<i64: 512, 2048>}, {transform_indices = @transform_3, window_bounds = array<i64: 1, 2048, 512>}]} {
    %eq3A = arith.constant 0 : i32
    %eq3A_0 = arith.cmpi eq, %arg0, %eq3A : i32
    %convert_element_type3A = arith.extui %eq3A_0 : i1 to i32
    %cond3A = arith.constant 0 : i32
    %cond3A_1 = arith.cmpi ne, %convert_element_type3A, %cond3A : i32
    scf.if %cond3A_1 {
      %get3A_14 = arith.constant 0 : index
      %get3A_15 = vector.load %arg2[%get3A_14] : memref<2048xf32, #tpu.memory_space<vmem>>, vector<2048xf32>
      %reshape3A = vector.shape_cast %get3A_15 : vector<2048xf32> to vector<1x2048xf32>
      %get3A_16 = arith.constant 0 : index
      %get3A_17 = arith.constant 0 : index
      %get3A_18 = arith.constant 0 : index
      %get3A_19 = vector.load %arg1[%get3A_16, %get3A_17, %get3A_18] : memref<1x2048x2048xf32, #tpu.memory_space<vmem>>, vector<1x2048x2048xf32>
      %get3A_20 = vector.shape_cast %get3A_19 : vector<1x2048x2048xf32> to vector<2048x2048xf32>
      %mul3A = vector.broadcast %reshape3A : vector<1x2048xf32> to vector<2048x2048xf32>
      %mul3A_21 = arith.mulf %get3A_20, %mul3A : vector<2048x2048xf32>
      %convert_element_type3A_22 = arith.truncf %mul3A_21 : vector<2048x2048xf32> to vector<2048x2048xbf16>
      %swap3A_23 = arith.constant 0 : index
      %swap3A_24 = arith.constant 0 : index
      %swap3A_25 = vector.load %arg5[%swap3A_23, %swap3A_24] : memref<2048x2048xbf16, #tpu.memory_space<vmem>>, vector<2048x2048xbf16>
      tpu.vector_store %arg5[%swap3A_23, %swap3A_24], %convert_element_type3A_22 {strides = array<i32>} : memref<2048x2048xbf16, #tpu.memory_space<vmem>>, vector<2048x2048xbf16>,
    } else {
    }
    %get3A = arith.constant 0 : index
    %get3A_2 = arith.constant 0 : index
    %get3A_3 = vector.load %arg3[%get3A, %get3A_2] : memref<512x2048xf32, #tpu.memory_space<vmem>>, vector<512x2048xf32>
    %convert_element_type3A_4 = arith.truncf %get3A_3 : vector<512x2048xf32> to vector<512x2048xbf16>
    %get3A_5 = arith.constant 0 : index
    %get3A_6 = arith.constant 0 : index
    %get3A_7 = vector.load %arg5[%get3A_5, %get3A_6] : memref<2048x2048xbf16, #tpu.memory_space<vmem>>, vector<2048x2048xbf16>
    %dot_general3A = arith.constant dense<0.000000e+00> : vector<2048x512xf32>
    %dot_general3A_8 = tpu.matmul %get3A_7, %convert_element_type3A_4, %dot_general3A {dimension_numbers = #tpu.dot_dimension_numbers<[1], [1], [0], [0], [0, 0, 1, 0], [], []>, transpose_lhs_hint = false} : vector<2048x2048xbf16>, vector<512x2048xbf16>, vector<2048x512xf32> -> vector<2048x512xf32>
    %swap3A = arith.constant 0 : index
    %swap3A_9 = arith.constant 0 : index
    %swap3A_10 = arith.constant 0 : index
    %swap3A_11 = vector.load %arg4[%swap3A, %swap3A_9, %swap3A_10] : memref<1x2048x512xf32, #tpu.memory_space<vmem>>, vector<1x2048x512xf32>
    %swap3A_12 = vector.shape_cast %swap3A_11 : vector<1x2048x512xf32> to vector<2048x512xf32>
    %swap3A_13 = vector.shape_cast %dot_general3A_8 : vector<2048x512xf32> to vector<1x2048x512xf32>
    tpu.vector_store %arg4[%swap3A, %swap3A_9, %swap3A_10], %swap3A_13 {strides = array<i32>} : memref<1x2048x512xf32, #tpu.memory_space<vmem>>, vector<1x2048x512xf32>,
    return
  }
  func.func @transform_0(%arg0: i32) -> (i32, i32, i32) {
    %c0_i32 = arith.constant 0 : i32
    %c0_i32_0 = arith.constant 0 : i32
    %c0_i32_1 = arith.constant 0 : i32
    %c0_i32_2 = arith.constant 0 : i32
    return %c0_i32, %c0_i32_0, %c0_i32_1 : i32, i32, i32
  }
  func.func @transform_1(%arg0: i32) -> i32 {
    %c0_i32 = arith.constant 0 : i32
    %c0_i32_0 = arith.constant 0 : i32
    return %c0_i32 : i32
  }
  func.func @transform_2(%arg0: i32) -> (i32, i32) {
    %c0_i32 = arith.constant 0 : i32
    %c0_i32_0 = arith.constant 0 : i32
    return %arg0, %c0_i32 : i32, i32
  }
  func.func @transform_3(%arg0: i32) -> (i32, i32, i32) {
    %c0_i32 = arith.constant 0 : i32
    %c0_i32_0 = arith.constant 0 : i32
    %c0_i32_1 = arith.constant 0 : i32
    return %c0_i32, %c0_i32_0, %arg0 : i32, i32, i32
  }
}

</mosaic_0001>

<sc_bundles>
// kernel: kernel.5.cloned.1.call-start
scs
__scs_entry_jumppad:
0x0: {  	(pc) =	sbr.rel $0x88, $3  }
0x1: {  	(tag) =	ssettag $0x0;
	lr =	simm.s32 $0x1  }
0x2: {  	[smem:$0x3F9D] =	sst lr;
	_ =	strace $0xD0000000  }
0x3: {  	_ = 	snop  }
0x4: {  	_ = 	snop  }
0x5: {  	_ = 	snop  }
0x6: {  	_ = 	snop  }
0x7: {  	_ = 	snop  }
__scs_overlays_trampoline_lowered:
0x8: {  	[smem:$0x3FAC] =	sst s0  }
0x9: {  	[smem:$0x3FAD] =	sst s1  }
0xa: {  	[smem:$0x3FAE] =	sst s2  }
0xb: {  	[smem:$0x3FAF] =	sst s3  }
0xc: {  	[smem:$0x3FB0] =	sst s4  }
0xd: {  	[smem:$0x3FB1] =	sst s5  }
0xe: {  	[smem:$0x3FB2] =	sst s6  }
0xf: {  	[smem:$0x3FB3] =	sst s7  }
0x10: {  	[smem:$0x3FB4] =	sst s8  }
0x11: {  	[smem:$0x3FB5] =	sst s9;
	s0 =	simm.s32 @!p0 $0x0  }
0x12: {  	s1 =	sld [smem:$0x3F9B];
	s0 =	simm.s32 @p0 $0x1  }
0x13: {  	[smem:$0x3FB6] =	sst s0;
	s0 =	simm.s32 @!p1 $0x0  }
0x14: {  	s2 =	sld [smem:$0x3F9A];
	s0 =	simm.s32 @p1 $0x1  }
0x15: {  	[smem:$0x3FB7] =	sst s0;
	s0 =	simm.s32 @!p2 $0x0  }
0x16: {  	s3 =	sld [smem:$0x3FDB];
	s0 =	simm.s32 @p2 $0x1  }
0x17: {  	s4 =	simm.s32 $0x1BF5;
	[smem:$0x3FB9] =	sst s0  }
0x18: {  	s0 =	sld [smem:$0x3F9C];
	_ =	swait.ge [sflag:s4], $0x0  }
0x19: {  	s7 =	sld [smem:$0x3F9D]  }
0x1a: {  	s8 =	sadd.s32 $0xFFFFE003, lr  }
0x1b: {  	s9 =	sadd.s32 $0xFFFFFEF7, lr;
	s5 =	simm.s32 $0xFFFFFFFF;
	p2 =	slt.u32 s8, $0xFFFFF086  }
0x1c: {  	p1 =	slt.u32 s9, $0xF7A;
	s5 =	simm.s32 @!p2 $0x0  }
0x1d: {  	s5 =	simm.s32 @p1 $0x1;
	p0 =	seq.s32 s7, s2  }
0x1e: {  	s7 =	smul.u32 @!p0 $0xF7A, s2;
	p2 =	seq.s32 @!p0 s5, $0x0  }
0x1f: {  	s9 =	smul.u32 $0xF7A, s1;
	s8 =	simm.s32 @!p0 $0x1BF5;
	p2 =	por !p2, p0  }
0x20: {  	[sflag:s8] =	ssyncset.s32 @!p0 $0xFFFFF086;
	s6 =	sadd.s32 @!p0 s3, s7;
	s7 =	simm.s32 @!p0 $0x108  }
0x21: {  	s3 =	sadd.s32 s3, s9;
	s6 =	sadd.s32 @!p0 $0x88, s6;
	s7 =	simm.s32 @p2 $0x1082  }
0x22: {  	[simem:s7], [sflag:s8] =	dma.local @!p0 [hbm:s6], $0xF7A  }
0x23: {  	s9 =	sor.u32 $0xD0000000, s2;
	s6 =	simm.s32 $0x108;
	_ =	swait.ge @!p0 [sflag:s8], $0x0  }
0x24: {  	s3 =	sadd.s32 $0x88, s3;
	s6 =	simm.s32 @!p1 $0x1082;
	[sflag:s4] =	ssyncset.s32 $0xFFFFF086  }
0x25: {  	[simem:s6], [sflag:s4] =	dma.local [hbm:s3], $0xF7A  }
0x26: {  	[smem:$0x3F9D] =	sst s1;
	(tag) =	ssettag s2;
	_ =	strace s9  }
0x27: {  	s1 =	sld [smem:$0x3FAD]  }
0x28: {  	s2 =	sld [smem:$0x3FAE]  }
0x29: {  	s4 =	sld [smem:$0x3FB0]  }
0x2a: {  	p0 =	seq.s32 s5, $0x0;
	s5 =	sld [smem:$0x3FB1]  }
0x2b: {  	s6 =	sld [smem:$0x3FB2]  }
0x2c: {  	s7 =	sld [smem:$0x3FB3]  }
0x2d: {  	s3 =	simm.s32 $0x108;
	s8 =	sld [smem:$0x3FB4]  }
0x2e: {  	s3 =	simm.s32 @!p0 $0x1082;
	s9 =	sld [smem:$0x3FB5]  }
0x2f: {  	lr =	sadd.s32 s0, s3;
	s0 =	sld [smem:$0x3FAC]  }
0x30: {  	s3 =	sld [smem:$0x3FAF]  }
0x31: {  	[smem:$0x3FB8] =	sst s10  }
0x32: {  	s10 =	sld [smem:$0x3FB6];
	_ =	sdelay $0x3  }
0x33: {  	p0 =	seq.s32 s10, $0x1;
	s10 =	sld [smem:$0x3FB8];
	_ =	sdelay $0x3  }
0x34: {  	[smem:$0x3FB8] =	sst s10  }
0x35: {  	s10 =	sld [smem:$0x3FB7];
	_ =	sdelay $0x3  }
0x36: {  	p1 =	seq.s32 s10, $0x1;
	s10 =	sld [smem:$0x3FB8];
	_ =	sdelay $0x3  }
0x37: {  	[smem:$0x3FB8] =	sst s10  }
0x38: {  	s10 =	sld [smem:$0x3FB9]  }
0x39: {  	_ = 	snop;
	(pc) =	sbr.ind lr, $3  }
0x3a: {  	_ = 	snop  }
0x3b: {  	_ = 	snop  }
0x3c: {  	p2 =	seq.s32 s10, $0x1;
	s10 =	sld [smem:$0x3FB8]  }
0x3d: {  	_ =	shalt  }
0x3e: {  	_ =	shalt  }
0x3f: {  	_ =	shalt  }
0x40: {  	_ =	shalt  }
0x41: {  	_ =	shalt  }
0x42: {  	_ =	shalt  }
0x43: {  	_ =	shalt  }
0x44: {  	_ =	shalt  }
0x45: {  	_ =	shalt  }
0x46: {  	_ =	shalt  }
0x47: {  	_ =	shalt  }
0x48: {  	_ =	shalt  }
0x49: {  	_ =	shalt  }
0x4a: {  	_ =	shalt  }
0x4b: {  	_ =	shalt  }
0x4c: {  	_ =	shalt  }
0x4d: {  	_ =	shalt  }
0x4e: {  	_ =	shalt  }
0x4f: {  	_ =	shalt  }
0x50: {  	_ =	shalt  }
0x51: {  	_ =	shalt  }
0x52: {  	_ =	shalt  }
0x53: {  	_ =	shalt  }
0x54: {  	_ =	shalt  }
0x55: {  	_ =	shalt  }
0x56: {  	_ =	shalt  }
0x57: {  	_ =	shalt  }
0x58: {  	_ =	shalt  }
0x59: {  	_ =	shalt  }
0x5a: {  	_ =	shalt  }
0x5b: {  	_ =	shalt  }
0x5c: {  	_ =	shalt  }
0x5d: {  	_ =	shalt  }
0x5e: {  	_ =	shalt  }
0x5f: {  	_ =	shalt  }
0x60: {  	_ =	shalt  }
0x61: {  	_ =	shalt  }
0x62: {  	_ =	shalt  }
0x63: {  	_ =	shalt  }
0x64: {  	_ =	shalt  }
0x65: {  	_ =	shalt  }
0x66: {  	_ =	shalt  }
0x67: {  	_ =	shalt  }
0x68: {  	_ =	shalt  }
0x69: {  	_ =	shalt  }
0x6a: {  	_ =	shalt  }
0x6b: {  	_ =	shalt  }
0x6c: {  	_ =	shalt  }
0x6d: {  	_ =	shalt  }
0x6e: {  	_ =	shalt  }
0x6f: {  	_ =	shalt  }
0x70: {  	_ =	shalt  }
0x71: {  	_ =	shalt  }
0x72: {  	_ =	shalt  }
0x73: {  	_ =	shalt  }
0x74: {  	_ =	shalt  }
0x75: {  	_ =	shalt  }
0x76: {  	_ =	shalt  }
0x77: {  	_ =	shalt  }
0x78: {  	_ =	shalt  }
0x79: {  	_ =	shalt  }
0x7a: {  	_ =	shalt  }
0x7b: {  	_ =	shalt  }
0x7c: {  	_ =	shalt  }
0x7d: {  	_ =	shalt  }
0x7e: {  	_ =	shalt  }
0x7f: {  	_ =	shalt  }
0x80: {  	_ =	shalt  }
0x81: {  	_ =	shalt  }
0x82: {  	_ =	shalt  }
0x83: {  	_ =	shalt  }
0x84: {  	_ =	shalt  }
0x85: {  	_ =	shalt  }
0x86: {  	_ =	shalt  }
0x87: {  	_ =	shalt  }
.Lfunc_end0:
.L_simem_size_0:
called_computation_lowered:
.L_overlay_start_0:
0x88: {  	s2 =	sld [smem:$0x3FD9]  }
0x89: {  	s3 =	sld [smem:$0x3FFE];
	_ =	sdelay $0x1  }
0x8a: {  	s1 =	srdreg.scid  }
0x8b: {  	s0 =	sand.u32 $0x1, s1  }
0x8c: {  	s17 =	sshll.u32 s0, $0xA;
	s2 =	sadd.s32 s3, s2  }
0x8d: {  	s2 =	sadd.s32 s2, s17  }
0x8e: {  	[smem:$0x3FC4] =	sst s2  }
0x8f: {  	_ = 	snop  }
0x90: {  	s2 =	sld [smem:$0x3FC7]  }
0x91: {  	s18 =	sld [smem:$0x3FD0];
	(tm) =	ssettm $0x1  }
0x92: {  	s4 =	sld [smem:$0x3FFB];
	_ =	sdelay $0x3  }
0x93: {  	_ =	strace s4  }
0x94: {  	s4 =	sld [smem:$0x3FFC];
	_ =	sdelay $0x3  }
0x95: {  	_ =	strace s4  }
0x96: {  	s4 =	sld [smem:$0x3FFD];
	_ =	sdelay $0x3  }
0x97: {  	_ =	strace s4  }
0x98: {  	_ =	strace $0x8FFFFFFF  }
0x99: {  	s19 =	sld [smem:$0x3FDB];
	_ =	sdelay $0x1  }
0x9a: {  	s5 =	simm.s32 $_scs_section_size  }
0x9b: {  	s6 =	simm.s32 $_size__tile_overlayer_lowered;
	s7 =	simm.s32 $_tile_overlayer_lowered  }
0x9c: {  	s22 =	simm.s32 $0x1BFF;
	s21 =	sshll.u32 s7, $0x1;
	s4 =	sadd.s32 s5, s19  }
0x9d: {  	s8 =	simm.s32 $0x0;
	s20 =	sshll.u32 s6, $0x1;
	s6 =	sadd.s32 s21, s4  }
0x9e: {  	[timem:s8], [sflag:s22] =	dma.local [hbm:s6], s20  }
0x9f: {  	_ =	swait.ge [sflag:s22], s20  }
0xa0: {  	s5 =	ssub.s32 $0x0, s20;
	[sflag:s22] =	ssyncset.done $0x0  }
0xa1: {  	[sflag:s22] =	ssyncadd.s32 s5;
	_ =	sdelay $0x1  }
0xa2: {  	s23 =	simm.s32 $0x1B8B  }
0xa3: {  	_ =	swait.ge [sflag:s23], $0x1  }
0xa4: {  	[sflag:s23] =	ssyncset.done $0x0  }
0xa5: {  	s25 =	simm.s32 $0x1B8E;
	s24 =	sld [smem:$0x3FFE];
	[sflag:s23] =	ssyncadd.s32 $0xFFFFFFFF  }
0xa6: {  	s26 =	simm.s32 $execute0_lowered;
	[smem:$0x3FD2] =	sst s25  }
0xa7: {  	s6 =	sshll.u32 s26, $0x1;
	_ =	strace $0x80000046;
	[dreg:$0x1] =	wrdreg $0xFFFFFFFF  }
0xa8: {  	s28 =	simm.s32 $_size_execute0_lowered;
	s4 =	sadd.s32 s4, s6;
	[dreg:$0x0] =	wrdreg $0x0  }
0xa9: {  	s6 =	sshll.u32 s28, $0x1;
	[dreg:$0x2] =	wrdreg s4  }
0xaa: {  	[dreg:$0x3] =	wrdreg s6  }
0xab: {  	[dreg:$0x4] =	wrdreg $0xC0  }
0xac: {  	_ =	task [dreg:s8], $0x5FFFF  }
0xad: {  	[dreg:$0x1] =	wrdreg $0xFFFFFFFF  }
0xae: {  	[dreg:$0x0] =	wrdreg $0x60  }
0xaf: {  	[dreg:$0x2] =	wrdreg s2  }
0xb0: {  	[dreg:$0x3] =	wrdreg s18  }
0xb1: {  	[dreg:$0x4] =	wrdreg s24  }
0xb2: {  	[dreg:$0x5] =	wrdreg $0x9  }
0xb3: {  	_ =	task.clear_ibuf [dreg:s8], $0x6FFFF;
	_ =	strace $0x90000046  }
0xb4: {  	s29 =	simm.s32 $0x9;
	_ =	strace $0x80000048  }
0xb5: {  	_ =	swait.ge [sflag:s29], $0x1  }
0xb6: {  	[sflag:s29] =	ssyncadd.s32 $0xFFFFFFFF  }
0xb7: {  	_ =	strace $0x90000048  }
0xb8: {  	_ =	sfence  }
0xb9: {  	s30 =	sld [smem:$0x0];
	_ =	sdelay $0x2  }
0xba: {  	s31 =	sshll.u32 s1, $0xD;
	s1 =	sshrl.u32 s1, $0x2  }
0xbb: {  	s3 =	sand.u32 $0x4000, s31;
	s1 =	sadd.s32 s1, s30  }
0xbc: {  	s0 =	sor.u32 s3, s0;
	s1 =	sshll.u32 s1, $0x11  }
0xbd: {  	s0 =	sor.u32 s1, s0  }
0xbe: {  	s0 =	sadd.s32 $0x8F2B, s0  }
0xbf: {  	[sflag:s0] =	ssyncadd.remote.s32 $0x1  }
0xc0: {  	_ =	sfence.sel $0xFFFF  }
0xc1: {  	[dreg:$0x0] =	wrdreg $0xFFFFFFFF;
	(pc) =	sbr.abs _section_cstart, $3  }
0xc2: {  	[dreg:$0x1] =	wrdreg $0xFFFFFFFF  }
0xc3: {  	_ =	task.clear_ibuf [dreg:s8], $0x2FFFF;
	_ =	strace $0x9FFFFFFF  }
0xc4: {  	(tm) =	ssettm $0x7FFFFFFF  }
0xc5: {  	_ =	shalt  }
tec
execute0_lowered:
.L_overlay_start_1:
0x0: {  	(tag) =	ssettag $0x1  }
0x1: {  	s0 =	srdreg.scid  }
0x2: {  	s4 =	sand.u32 $0x1, s0;
	s0 =	stileid.u32  }
0x3: {  	s6 =	sor.u32 s0, s4  }
0x4: {  	p0 =	sne.s32 s6, $0x0  }
.Ltmp0:
0x5: {  	_ = 	snop;
	(pc) =	sbr.rel @p0 .LBB2_7-.Ltmp0, $4  }
0x6: {  	s1 =	rddreg [dreg:$0x0]  }
0x7: {  	s3 =	rddreg [dreg:$0x1]  }
0x8: {  	s5 =	rddreg [dreg:$0x2]  }
0x9: {  	s2 =	rddreg [dreg:$0x3];
	_ =	strace $0x80000047  }
0xa: {  	s6 =	ssub.s32 $0x2, s4;
	s4 =	sadd.s32 $0xA00, s5;
	s7 =	simm.s32 $0x1  }
0xb: {  	s8 =	simm.s32 $0x800;
	s9 =	simm.s32 $0x1000;
	s31 =	sshrl.u32 s6, $0x1  }
0xc: {  	v0 =	vimm.f32 $0.0e+00;
	s10 =	simm.s32 $0x0;
	s5 =	ssub.s32 s6, s31;
	s6 =	simm.s32 $0x0  }
.LBB2_2:
0xd: {  	[tilespmem:s6], [sflag:$0x1] =	stream.linear.gather [hbm4b:s1+s6], $0x800, $0x38;
	[tilespmem:$0x1800] =	vst v63  }
0xe: {  	_ =	swait.ge [sflag:s7], $0x800  }
0xf: {  	[sflag:s7] =	ssyncset.done $0x0  }
0x10: {  	[sflag:s7] =	ssyncadd.s32 $0xFFFFF800  }
0x11: {  	[tilespmem:s8], [sflag:$0x1] =	stream.linear.gather [hbm4b:s3+s6], $0x800, $0x38;
	[tilespmem:$0x1800] =	vst v63  }
0x12: {  	_ =	swait.ge [sflag:s7], $0x800  }
0x13: {  	[sflag:s7] =	ssyncset.done $0x0  }
0x14: {  	s11 =	simm.s32 $0x0;
	[sflag:s7] =	ssyncadd.s32 $0xFFFFF800  }
.LBB2_3:
0x15: {  	p0 =	sne.s32 s11, $0x1FC0  }
.Ltmp1:
0x16: {  	_ = 	snop;
	(pc) =	sbr.rel @p0 .LBB2_3-.Ltmp1, $3  }
0x17: {  	_ =	sdelay $0x1  }
0x18: {  	s12 =	sshra.s32 s11, $0x2  }
0x19: {  	s11 =	sadd.s32 $0x40, s11;
	[tilespmem:s12+$0x1000] =	vst v0  }
0x1a: {  	s12 =	simm.s32 $0x0;
	s11 =	simm.s32 $0x40  }
.LBB2_5:
0x1b: {  	p0 =	sne.s32 s11, $0x1FC0;
	v1 =	vld [tilespmem:s12+$0x0];
	_ =	sdelay $0x2  }
0x1c: {  	v2 =	vld [tilespmem:s12+$0x800]  }
.Ltmp2:
0x1d: {  	(pc) =	sbr.rel @p0 .LBB2_5-.Ltmp2, $2  }
0x1e: {  	_ =	sdelay $0x2  }
0x1f: {  	s12 =	sshra.s32 s11, $0x2;
	s11 =	sadd.s32 $0x40, s11;
	[tilespmem:v1+s9+$0x0] =	vst.idx.msk $0xffff, v2  }
0x20: {  	v1 =	vld [tilespmem:s12+$0x0];
	_ =	sdelay $0x2  }
0x21: {  	v2 =	vld [tilespmem:s12+$0x800];
	_ =	sdelay $0x2  }
0x22: {  	s10 =	sadd.s32 $0x1, s10  }
0x23: {  	p0 =	sne.s32 s10, s5  }
.Ltmp3:
0x24: {  	[tilespmem:v1+s9+$0x0] =	vst.idx.msk $0xffff, v2;
	(pc) =	sbr.rel @p0 .LBB2_2-.Ltmp3, $4  }
0x25: {  	[hbm4b:s4+s6] =	stream.linear.scatter [tilespmem:s9], [sflag:$0x1], $0x800, $0x38;
	[tilespmem:$0x1800] =	vst v63  }
0x26: {  	_ =	swait.ge [sflag:s7], $0x800  }
0x27: {  	[sflag:s7] =	ssyncset.done $0x0  }
0x28: {  	[sflag:s7] =	ssyncadd.s32 $0xFFFFF800  }
.LBB2_7:
0x29: {  	_ =	sfence.sel $0x180000  }
0x2a: {  	[bflag:$0x0] =	sbarrier.arrive $0xFFFF  }
0x2b: {  	p0 =	sne.s32 s0, $0x0;
	_ =	strace $0x90000047  }
0x2c: {  	s0 =	sadd.s32 @!p0 $0x100000, s2;
	[bflag:$0x2] =	sbarrier.arrive $0xFFFF  }
0x2d: {  	[sflag:s0] =	ssyncadd.tile.s32 @!p0 $0x1;
	_ =	shalt  }
.Lfunc_end2:
_tile_overlayer_lowered:
.L_overlay_start_2:
0x2e: {  	(tag) =	ssettag $0x2  }
0x2f: {  	s0 =	rddreg [dreg:$0x0];
	s2 =	stileid.u32  }
0x30: {  	s1 =	rddreg [dreg:$0x1];
	p0 =	sne.s32 s2, $0x0  }
0x31: {  	s3 =	rddreg [dreg:$0x2];
	[bflag:$0x3] =	sbarrier.arrive $0xFFFF;
	s2 =	simm.s32 @!p0 $0x1C01  }
0x32: {  	[timem:s3], [sflag:s2] =	dma.local @!p0 [hbm:s0], s1  }
0x33: {  	s0 =	simm.s32 @!p0 $0x1  }
0x34: {  	_ =	swait.ge @!p0 [sflag:s0], s1  }
0x35: {  	s1 =	ssub.s32 @!p0 $0x0, s1;
	[sflag:s0] =	ssyncset.done @!p0 $0x0  }
0x36: {  	[sflag:s0] =	ssyncadd.s32 @!p0 s1  }
0x37: {  	[bflag:$0x3] =	sbarrier.arrive $0xFFFF  }
0x38: {  	_ =	shalt  }

</sc_bundles>
